<compile_context>
chip_gen: v7x
topology: tpu7x:2x2x1
jax: 0.10.2.dev20260603
libtpu: 0.0.44.dev20260713+nightly
codegen_flags: <defaults>
</compile_context>

<pallas_src>
import jax
import jax.numpy as jnp
from jax.experimental import pallas as pl

_MB = 4096


def _head_kernel(x_ref, w_ref, b_ref, o_ref):
    o_ref[...] = (
        jnp.dot(w_ref[...], x_ref[...], preferred_element_type=jnp.float32)
        + b_ref[...]
    )


def kernel(x, Wc, bc):
    B, C, H, W = x.shape
    HW = H * W
    x2 = x.reshape(B * C, HW)
    Wbig = jnp.kron(jnp.eye(B, dtype=Wc.dtype), Wc)
    bbig = jnp.tile(bc, B).reshape(B * 18, 1)
    out = pl.pallas_call(
        _head_kernel,
        grid=(HW // _MB,),
        in_specs=[
            pl.BlockSpec((B * C, _MB), lambda m: (0, m)),
            pl.BlockSpec((B * 18, B * C), lambda m: (0, 0)),
            pl.BlockSpec((B * 18, 1), lambda m: (0, 0)),
        ],
        out_specs=pl.BlockSpec((B * 18, _MB), lambda m: (0, m)),
        out_shape=jax.ShapeDtypeStruct((B * 18, HW), jnp.float32),
    )(x2, Wbig, bbig)
    return out

# --- scband reference (transcript-rebuilt; emitter-appended) ---
"""Pipeline reference for scband-custom-detect-head-12326556140217 (READ-ONLY COPY).

The authoritative reference and input builder live on the scoring server;
editing this copy changes nothing except your own understanding.
"""

import jax, jax.numpy as jnp
import numpy as np


def setup_inputs(seed: int = 0) -> dict:
    key = jax.random.key(seed)
    k1, k2, k3 = jax.random.split(key, 3)
    B, C, H, W = 8, 16, 512, 512
    num_classes = 1
    out_ch = (5 + num_classes) * 3  # 18
    x = jax.random.normal(k1, (B, C, H, W), dtype=jnp.float32)
    # 1x1 conv params, kaiming-uniform-ish init like torch Conv2d default
    fan_in = C * 1 * 1
    bound = 1.0 / np.sqrt(fan_in)
    Wc = jax.random.uniform(k2, (out_ch, C), dtype=jnp.float32, minval=-bound, maxval=bound)
    bc = jax.random.uniform(k3, (out_ch,), dtype=jnp.float32, minval=-bound, maxval=bound)
    return {"x": x, "Wc": Wc, "bc": bc}


def reference(x, Wc, bc):
    # x: (B, 16, H, W); 1x1 conv -> (B, 18, H, W)
    B = x.shape[0]
    H = x.shape[2]
    W = x.shape[3]
    out = jnp.einsum('bchw,oc->bohw', x, Wc) + bc[None, :, None, None]
    # view(B, 3, 6, -1, W) -> (B, 3, 6, H, W)
    out = out.reshape(B, 3, 6, H, W)
    # permute(0, 1, 3, 4, 2) -> (B, 3, H, W, 6)
    out = jnp.transpose(out, (0, 1, 3, 4, 2))
    return out

if __name__ == "__main__":
    import jax
    _d = setup_inputs()
    print(jax.jit(kernel)(*tuple(_d.values())))

</pallas_src>

<mosaic_0001>
module attributes {stable_mosaic.version = 14 : i64} {
  func.func @_head_kernel(%arg0: i32, %arg1: memref<128x4096xf32, #tpu.memory_space<vmem>>, %arg2: memref<144x128xf32, #tpu.memory_space<vmem>>, %arg3: memref<144x1xf32, #tpu.memory_space<vmem>>, %arg4: memref<144x4096xf32, #tpu.memory_space<vmem>>) attributes {dimension_semantics = [#tpu.dimension_semantics<arbitrary>], iteration_bounds = array<i64: 64>, scalar_prefetch = 0 : i64, scratch_operands = 0 : i64, tpu.core_type = #tpu.core_type<tc>, window_params = [{transform_indices = @transform_0, window_bounds = array<i64: 128, 4096>}, {pipeline_mode = #tpu.pipeline_mode<synchronous>, transform_indices = @transform_1, window_bounds = array<i64: 144, 128>}, {pipeline_mode = #tpu.pipeline_mode<synchronous>, transform_indices = @transform_2, window_bounds = array<i64: 144, 1>}, {transform_indices = @transform_3, window_bounds = array<i64: 144, 4096>}]} {
    %get3A = arith.constant 0 : index
    %get3A_0 = arith.constant 0 : index
    %get3A_1 = vector.load %arg2[%get3A, %get3A_0] : memref<144x128xf32, #tpu.memory_space<vmem>>, vector<144x128xf32>
    %get3A_2 = arith.constant 0 : index
    %get3A_3 = arith.constant 0 : index
    %get3A_4 = vector.load %arg1[%get3A_2, %get3A_3] : memref<128x4096xf32, #tpu.memory_space<vmem>>, vector<128x4096xf32>
    %dot_general3A = arith.constant dense<0.000000e+00> : vector<144x4096xf32>
    %dot_general3A_5 = tpu.matmul %get3A_1, %get3A_4, %dot_general3A {dimension_numbers = #tpu.dot_dimension_numbers<[1], [0], [0], [1], [0, 0, 1, 1], [], []>, transpose_lhs_hint = false} : vector<144x128xf32>, vector<128x4096xf32>, vector<144x4096xf32> -> vector<144x4096xf32>
    %get3A_6 = arith.constant 0 : index
    %get3A_7 = arith.constant 0 : index
    %get3A_8 = vector.load %arg3[%get3A_6, %get3A_7] : memref<144x1xf32, #tpu.memory_space<vmem>>, vector<144x1xf32>
    %add3A = vector.broadcast %get3A_8 : vector<144x1xf32> to vector<144x4096xf32>
    %add3A_9 = arith.addf %dot_general3A_5, %add3A : vector<144x4096xf32>
    %swap3A = arith.constant 0 : index
    %swap3A_10 = arith.constant 0 : index
    %swap3A_11 = vector.load %arg4[%swap3A, %swap3A_10] : memref<144x4096xf32, #tpu.memory_space<vmem>>, vector<144x4096xf32>
    tpu.vector_store %arg4[%swap3A, %swap3A_10], %add3A_9 {strides = array<i32>} : memref<144x4096xf32, #tpu.memory_space<vmem>>, vector<144x4096xf32>,
    return
  }
  func.func @transform_0(%arg0: i32) -> (i32, i32) {
    %c0_i32 = arith.constant 0 : i32
    %c0_i32_0 = arith.constant 0 : i32
    return %c0_i32, %arg0 : i32, i32
  }
  func.func @transform_1(%arg0: i32) -> (i32, i32) {
    %c0_i32 = arith.constant 0 : i32
    %c0_i32_0 = arith.constant 0 : i32
    %c0_i32_1 = arith.constant 0 : i32
    return %c0_i32, %c0_i32_0 : i32, i32
  }
  func.func @transform_2(%arg0: i32) -> (i32, i32) {
    %c0_i32 = arith.constant 0 : i32
    %c0_i32_0 = arith.constant 0 : i32
    %c0_i32_1 = arith.constant 0 : i32
    return %c0_i32, %c0_i32_0 : i32, i32
  }
  func.func @transform_3(%arg0: i32) -> (i32, i32) {
    %c0_i32 = arith.constant 0 : i32
    %c0_i32_0 = arith.constant 0 : i32
    return %c0_i32, %arg0 : i32, i32
  }
}

</mosaic_0001>

<sc_bundles>
// kernel: sparse-core-data-format-call.cloned.1.call-start
scs
called_computation_lowered:
.L_overlay_start_0:
0x0: {  	s2 =	sld [smem:$0x3FD9]  }
0x1: {  	s3 =	sld [smem:$0x3FFE];
	_ =	sdelay $0x1  }
0x2: {  	s1 =	srdreg.scid  }
0x3: {  	s0 =	sand.u32 $0x1, s1  }
0x4: {  	s18 =	sshll.u32 s0, $0xA;
	s2 =	sadd.s32 s3, s2  }
0x5: {  	s2 =	sadd.s32 s2, s18  }
0x6: {  	[smem:$0x3FC5] =	sst s2  }
0x7: {  	_ = 	snop  }
0x8: {  	s2 =	sld [smem:$0x3FC9];
	(tm) =	ssettm $0x1  }
0x9: {  	s19 =	sld [smem:$0x3FFB];
	_ =	sdelay $0x3  }
0xa: {  	_ =	strace s19  }
0xb: {  	s3 =	sld [smem:$0x3FFC];
	_ =	sdelay $0x3  }
0xc: {  	_ =	strace s3  }
0xd: {  	s3 =	sld [smem:$0x3FFD];
	_ =	sdelay $0x3  }
0xe: {  	_ =	strace s3  }
0xf: {  	_ =	strace $0x8FFFFFFF  }
0x10: {  	s20 =	sld [smem:$0x3FDB];
	_ =	sdelay $0x1  }
0x11: {  	s4 =	simm.s32 $_scs_section_size  }
0x12: {  	s5 =	simm.s32 $_size__tile_overlayer_lowered;
	s6 =	simm.s32 $_tile_overlayer_lowered  }
0x13: {  	s23 =	simm.s32 $0x1BFF;
	s22 =	sshll.u32 s6, $0x1;
	s3 =	sadd.s32 s4, s20  }
0x14: {  	s7 =	simm.s32 $0x0;
	s21 =	sshll.u32 s5, $0x1;
	s5 =	sadd.s32 s22, s3  }
0x15: {  	[timem:s7], [sflag:s23] =	dma.local [hbm:s5], s21  }
0x16: {  	_ =	swait.ge [sflag:s23], s21  }
0x17: {  	s4 =	ssub.s32 $0x0, s21;
	[sflag:s23] =	ssyncset.done $0x0  }
0x18: {  	[sflag:s23] =	ssyncadd.s32 s4;
	_ =	sdelay $0x1  }
0x19: {  	s24 =	simm.s32 $0x1B8B  }
0x1a: {  	_ =	swait.ge [sflag:s24], $0x1  }
0x1b: {  	[sflag:s24] =	ssyncset.done $0x0  }
0x1c: {  	s26 =	simm.s32 $0x1B8E;
	s25 =	sld [smem:$0x3FFE];
	[sflag:s24] =	ssyncadd.s32 $0xFFFFFFFF  }
0x1d: {  	s27 =	simm.s32 $execute0_lowered;
	[smem:$0x3FD2] =	sst s26  }
0x1e: {  	s5 =	sshll.u32 s27, $0x1;
	_ =	strace $0x80000046;
	[dreg:$0x1] =	wrdreg $0xFFFFFFFF  }
0x1f: {  	s28 =	simm.s32 $_size_execute0_lowered;
	s3 =	sadd.s32 s3, s5;
	[dreg:$0x0] =	wrdreg $0x0  }
0x20: {  	s5 =	sshll.u32 s28, $0x1;
	[dreg:$0x2] =	wrdreg s3  }
0x21: {  	[dreg:$0x3] =	wrdreg s5  }
0x22: {  	[dreg:$0x4] =	wrdreg $0xC0  }
0x23: {  	_ =	task [dreg:s7], $0x5FFFF  }
0x24: {  	[dreg:$0x1] =	wrdreg $0xFFFFFFFF  }
0x25: {  	[dreg:$0x0] =	wrdreg $0x60  }
0x26: {  	[dreg:$0x2] =	wrdreg s2  }
0x27: {  	[dreg:$0x3] =	wrdreg s25  }
0x28: {  	[dreg:$0x4] =	wrdreg $0x9  }
0x29: {  	_ =	task.clear_ibuf [dreg:s7], $0x5FFFF;
	_ =	strace $0x90000046  }
0x2a: {  	s29 =	simm.s32 $0x9;
	_ =	strace $0x80000048  }
0x2b: {  	_ =	swait.ge [sflag:s29], $0x1  }
0x2c: {  	[sflag:s29] =	ssyncadd.s32 $0xFFFFFFFF  }
0x2d: {  	_ =	strace $0x90000048  }
0x2e: {  	_ =	sfence  }
0x2f: {  	s30 =	sld [smem:$0x0];
	_ =	sdelay $0x2  }
0x30: {  	s31 =	sshll.u32 s1, $0xD;
	s1 =	sshrl.u32 s1, $0x2  }
0x31: {  	s3 =	sand.u32 $0x4000, s31;
	s1 =	sadd.s32 s1, s30  }
0x32: {  	s0 =	sor.u32 s3, s0;
	s1 =	sshll.u32 s1, $0x11  }
0x33: {  	s0 =	sor.u32 s1, s0  }
0x34: {  	s0 =	sadd.s32 $0x8F2B, s0  }
0x35: {  	[sflag:s0] =	ssyncadd.remote.s32 $0x1  }
0x36: {  	_ =	sfence.sel $0xFFFF  }
0x37: {  	[dreg:$0x0] =	wrdreg $0xFFFFFFFF;
	(pc) =	sbr.abs _section_cstart, $3  }
0x38: {  	[dreg:$0x1] =	wrdreg $0xFFFFFFFF  }
0x39: {  	_ =	task.clear_ibuf [dreg:s7], $0x2FFFF;
	_ =	strace $0x9FFFFFFF  }
0x3a: {  	(tm) =	ssettm $0x7FFFFFFF  }
0x3b: {  	_ =	shalt  }
tec
execute0_lowered:
.L_overlay_start_1:
0x0: {  	(tag) =	ssettag $0x1  }
0x1: {  	s2 =	rddreg [dreg:$0x0]  }
0x2: {  	s1 =	rddreg [dreg:$0x1]  }
0x3: {  	s3 =	srdreg.scid;
	s0 =	rddreg [dreg:$0x2]  }
0x4: {  	_ =	strace $0x80000047;
	s5 =	simm.s32 $0x1;
	s8 =	simm.s32 $0x2  }
0x5: {  	s14 =	simm.s32 $0x0;
	p0 =	por $0x0, $0x0;
	s15 =	simm.s32 $0x0  }
0x6: {  	s17 =	simm.s32 $0x0;
	s16 =	simm.s32 $0x0;
	s10 =	simm.s32 $0x0  }
0x7: {  	s11 =	simm.s32 $0x0;
	s13 =	stileid.u32;
	s3 =	sand.u32 $0x1, s3  }
.Ltmp0:
0x8: {  	s4 =	sadd.s32 $0x800, s1;
	s6 =	ssub.s32 $0x8, s3;
	(pc) =	sbr.rel .LBB1_1-.Ltmp0, $4  }
0x9: {  	s1 =	stileid.u32;
	[sflag:s5] =	ssyncpa.u1 $0x0;
	s7 =	sshrl.u32 s6, $0x1  }
0xa: {  	[sflag:s8] =	ssyncpa.u1 $0x0;
	s8 =	simm.s32 $0x1000;
	s9 =	sadd.s32 s3, s7  }
0xb: {  	s12 =	smov.u32 s3;
	s6 =	ssub.s32 s6, s7;
	s31 =	sshll.u32 s9, $0x4  }
0xc: {  	s6 =	sshll.u32 s6, $0x4;
	s9 =	simm.s32 $0x0;
	s7 =	ssub.s32 $0x82, s31  }
.LBB1_4:
0xd: {  	_ =	sdelay $0x3  }
0xe: {  	[tilespmem:v0+s20+$0xFFFFFFA0 ss:$0x1] =	vst.idx.msk $0xffff, v6  }
0xf: {  	v56 =	vld.idx.msk [tilespmem:v1+s19+$0x30 ss:$0x1], $0xffff;
	[tilespmem:v0+s20+$0xFFFFFFB0 ss:$0x1] =	vst.idx.msk $0xffff, v4  }
0x10: {  	v57 =	vld.idx.msk [tilespmem:v1+s19+$0xFFFFFFC0 ss:$0x1], $0xffff;
	[tilespmem:v0+s20+$0xFFFFFFC0 ss:$0x1] =	vst.idx.msk $0xffff, v2  }
0x11: {  	v58 =	vld.idx.msk [tilespmem:v1+s19+$0xFFFFFFD0 ss:$0x1], $0xffff;
	[tilespmem:v0+s20+$0xFFFFFFD0 ss:$0x1] =	vst.idx.msk $0xffff, v3  }
0x12: {  	v59 =	vld.idx.msk [tilespmem:v1+s19+$0xFFFFFFE0 ss:$0x1], $0xffff;
	[tilespmem:v0+s20+$0xFFFFFFE0 ss:$0x1] =	vst.idx.msk $0xffff, v5  }
0x13: {  	v60 =	vld.idx.msk [tilespmem:v1+s19+$0xFFFFFFF0 ss:$0x1], $0xffff;
	[tilespmem:v0+s20+$0xFFFFFFF0 ss:$0x1] =	vst.idx.msk $0xffff, v7  }
0x14: {  	v61 =	vld.idx.msk [tilespmem:v1+s19+$0x0 ss:$0x1], $0xffff;
	[tilespmem:v0+s19+$0x0 ss:$0x1] =	vst.idx.msk $0xffff, v56  }
0x15: {  	v62 =	vld.idx.msk [tilespmem:v1+s19+$0x10 ss:$0x1], $0xffff;
	[tilespmem:v0+s19+$0xFFFFFF90 ss:$0x1] =	vst.idx.msk $0xffff, v57  }
0x16: {  	s17 =	sshll.u32 s17, $0x7;
	v63 =	vld.idx.msk [tilespmem:v1+s19+$0x20 ss:$0x1], $0xffff;
	s29 =	sand.u32 $0x78, s14;
	[tilespmem:v0+s19+$0xFFFFFFA0 ss:$0x1] =	vst.idx.msk $0xffff, v58  }
0x17: {  	s30 =	sshll.u32 s14, $0x3;
	s16 =	sshll.u32 s16, $0x12;
	s17 =	sand.u32 $0x380, s17;
	[tilespmem:v0+s19+$0xFFFFFFB0 ss:$0x1] =	vst.idx.msk $0xffff, v59  }
0x18: {  	s15 =	sshll.u32 s15, $0x9;
	s20 =	sand.u32 $0xC00, s30;
	s17 =	sor.u32 s29, s17;
	[tilespmem:v0+s19+$0xFFFFFFC0 ss:$0x1] =	vst.idx.msk $0xffff, v60  }
0x19: {  	s31 =	sand.u32 $0x7, s14;
	s16 =	sadd.s32 s4, s16;
	s17 =	sor.u32 s20, s17;
	[tilespmem:v0+s19+$0xFFFFFFD0 ss:$0x1] =	vst.idx.msk $0xffff, v61  }
0x1a: {  	s14 =	sshll.u32 s31, $0x12;
	s15 =	sadd.s32 s15, s16;
	s17 =	sshrl.u32 s17, $0x3;
	[tilespmem:v0+s19+$0xFFFFFFE0 ss:$0x1] =	vst.idx.msk $0xffff, v62  }
0x1b: {  	s14 =	sor.u32 $0x80, s14;
	[tilespmem:v0+s19+$0xFFFFFFF0 ss:$0x1] =	vst.idx.msk $0xffff, v63;
	s15 =	sadd.s32 s17, s15  }
0x1c: {  	[hbm4b:s15+s14] =	stream.strided.scatter [tilespmem:s18], [sflag:$0x2], $0x4000, s8, s14, $0x38;
	[tilespmem:$0x10000] =	vst v63  }
.LBB1_5:
0x1d: {  	s18 =	sadd.s32 $0x80, s10  }
0x1e: {  	s14 =	sadd.s32 $0x80, s11;
	s19 =	smov.u32 s11;
	p2 =	sgt.s32 s18, $0x1FF  }
0x1f: {  	s19 =	smov.u32 @p2 s14  }
0x20: {  	s20 =	smov.u32 s12;
	s14 =	sadd.s32 $0x2, s12;
	p3 =	sgt.s32 s19, $0x1FF  }
0x21: {  	s20 =	smov.u32 @p3 s14  }
0x22: {  	s21 =	smov.u32 s13;
	s14 =	sadd.s32 $0x10, s13;
	p4 =	sgt.s32 s20, $0x7  }
0x23: {  	p1 =	slt.u32 s9, $0x2;
	s21 =	smov.u32 @p4 s14  }
0x24: {  	s9 =	sadd.s32 $0x1, s9;
	s18 =	simm.s32 @p2 $0x0;
	p2 =	sgt.s32 s21, $0xF  }
0x25: {  	s22 =	simm.s32 @!p1 $0x2;
	s21 =	smov.u32 @p2 s1;
	p2 =	sne.s32 s9, s7  }
.Ltmp1:
0x26: {  	s15 =	smov.u32 s11;
	_ =	swait.ge @!p1 [sflag:s22], $0x4000;
	(pc) =	sbr.rel @!p2 .LBB1_6-.Ltmp1, $4  }
0x27: {  	s17 =	smov.u32 s12;
	s16 =	smov.u32 s13;
	[sflag:s22] =	ssyncset.done @!p1 $0x0  }
0x28: {  	p0 =	por !p0, !p0;
	s19 =	simm.s32 @p3 $0x0;
	[sflag:s22] =	ssyncadd.s32 @!p1 $0xFFFFC000  }
0x29: {  	s11 =	smov.u32 s19;
	s20 =	smov.u32 @p4 s3;
	s14 =	smov.u32 s10  }
0x2a: {  	s10 =	smov.u32 s18;
	s12 =	smov.u32 s20;
	s13 =	smov.u32 s21  }
.LBB1_1:
0x2b: {  	p1 =	sge.u32 s9, s6;
	s31 =	sadd.s32 $0xFFFFFFFF, s9  }
0x2c: {  	s18 =	sxor.u32 @!p1 $0xFFFFFFFF, s9;
	s19 =	sand.u32 @!p1 $0x78, s10;
	s20 =	sshll.u32 @!p1 s11, $0x9  }
0x2d: {  	s21 =	sshll.u32 @!p1 s10, $0x3;
	s22 =	sshll.u32 @!p1 s11, $0x7;
	s18 =	sshll.u32 @!p1 s18, $0xE  }
0x2e: {  	s20 =	sand.u32 @!p1 $0x3F000, s20;
	s21 =	sand.u32 @!p1 $0x3FC00, s21;
	s18 =	sand.u32 @!p1 $0x4000, s18  }
0x2f: {  	s20 =	sadd.s32 @!p1 s20, s21;
	s21 =	sand.u32 @!p1 $0x200, s22;
	s22 =	sand.u32 @!p1 $0x180, s22  }
0x30: {  	s20 =	sor.u32 @!p1 s21, s20;
	s19 =	sor.u32 @!p1 s19, s22;
	s21 =	sshll.u32 @!p1 s13, $0x12  }
0x31: {  	s22 =	sshll.u32 @!p1 s12, $0xF;
	s20 =	sshrl.u32 @!p1 s20, $0x3;
	s21 =	sadd.s32 @!p1 s2, s21  }
0x32: {  	s19 =	sshrl.u32 @!p1 s19, $0x3;
	s21 =	sadd.s32 @!p1 s22, s21;
	s22 =	sand.u32 @!p1 $0x7, s10  }
0x33: {  	s20 =	sand.u32 @!p1 $0x7FC0, s20;
	s19 =	sadd.s32 @!p1 s19, s21;
	s21 =	sshll.u32 @!p1 s22, $0x12  }
0x34: {  	s19 =	sadd.s32 @!p1 s20, s19;
	s20 =	sor.u32 @!p1 $0x400, s21;
	s21 =	simm.s32 @!p1 $0x1000  }
0x35: {  	[tilespmem:s18], [sflag:$0x1] =	stream.strided.gather @!p1 [hbm4b:s19+s20], $0x4000, s21, s20, $0x38;
	[tilespmem:$0x10000] =	vst v63  }
0x36: {  	p1 =	sge.u32 s31, s6  }
.Ltmp2:
0x37: {  	_ = 	snop;
	(pc) =	sbr.rel @p1 .LBB1_5-.Ltmp2, $1  }
0x38: {  	_ =	sdelay $0x3  }
0x39: {  	s18 =	simm.s32 $0x1  }
0x3a: {  	s18 =	simm.s32 @!p0 $0x0  }
0x3b: {  	s18 =	sshll.u32 s18, $0xE  }
0x3c: {  	s19 =	sor.u32 $0x40, s18  }
0x3d: {  	v1 =	vmov s19;
	_ =	sdelay $0x1  }
0x3e: {  	_ =	swait.ge [sflag:s5], $0x4000  }
0x3f: {  	[sflag:s5] =	ssyncset.done $0x0  }
0x40: {  	s20 =	simm.s32 $0x0;
	[sflag:s5] =	ssyncadd.s32 $0xFFFFC000  }
0x41: {  	s18 =	sor.u32 $0x8070, s18;
	v7 =	vld.idx.msk [tilespmem:v1+s20+$0x30 ss:$0x1], $0xffff  }
0x42: {  	v0 =	vmov s18;
	v8 =	vld.idx.msk [tilespmem:v1+s20+$0xFFFFFFC0 ss:$0x1], $0xffff  }
0x43: {  	v6 =	vld.idx.msk [tilespmem:v1+s20+$0xFFFFFFD0 ss:$0x1], $0xffff  }
0x44: {  	v4 =	vld.idx.msk [tilespmem:v1+s20+$0xFFFFFFE0 ss:$0x1], $0xffff  }
0x45: {  	v2 =	vld.idx.msk [tilespmem:v1+s20+$0xFFFFFFF0 ss:$0x1], $0xffff  }
0x46: {  	s31 =	sshll.u32 s9, $0xE;
	v3 =	vld.idx.msk [tilespmem:v1+s20+$0x0 ss:$0x1], $0xffff  }
0x47: {  	s18 =	sand.u32 $0x4000, s31;
	v5 =	vld.idx.msk [tilespmem:v1+s20+$0x10 ss:$0x1], $0xffff;
	[tilespmem:v0+s20+$0x0 ss:$0x1] =	vst.idx.msk $0xffff, v7  }
0x48: {  	s21 =	simm.s32 $0x400;
	s19 =	simm.s32 $0x80;
	s18 =	sor.u32 $0x8000, s18;
	[tilespmem:v0+s20+$0xFFFFFF90 ss:$0x1] =	vst.idx.msk $0xffff, v8;
	v7 =	vld.idx.msk [tilespmem:v1+s20+$0x20 ss:$0x1], $0xffff  }
.LBB1_3:
0x49: {  	p1 =	sne.s32 s21, $0xFE00;
	v8 =	vld.idx.msk [tilespmem:v1+s19+$0x30 ss:$0x1], $0xffff;
	[tilespmem:v0+s20+$0xFFFFFFA0 ss:$0x1] =	vst.idx.msk $0xffff, v6  }
0x4a: {  	v9 =	vld.idx.msk [tilespmem:v1+s19+$0xFFFFFFC0 ss:$0x1], $0xffff;
	[tilespmem:v0+s20+$0xFFFFFFB0 ss:$0x1] =	vst.idx.msk $0xffff, v4  }
0x4b: {  	v6 =	vld.idx.msk [tilespmem:v1+s19+$0xFFFFFFD0 ss:$0x1], $0xffff;
	[tilespmem:v0+s20+$0xFFFFFFC0 ss:$0x1] =	vst.idx.msk $0xffff, v2  }
.Ltmp3:
0x4c: {  	v4 =	vld.idx.msk [tilespmem:v1+s19+$0xFFFFFFE0 ss:$0x1], $0xffff;
	[tilespmem:v0+s20+$0xFFFFFFD0 ss:$0x1] =	vst.idx.msk $0xffff, v3;
	(pc) =	sbr.rel @p1 .LBB1_3-.Ltmp3, $4  }
0x4d: {  	v2 =	vld.idx.msk [tilespmem:v1+s19+$0xFFFFFFF0 ss:$0x1], $0xffff;
	[tilespmem:v0+s20+$0xFFFFFFE0 ss:$0x1] =	vst.idx.msk $0xffff, v5  }
0x4e: {  	v3 =	vld.idx.msk [tilespmem:v1+s19+$0x0 ss:$0x1], $0xffff;
	[tilespmem:v0+s20+$0xFFFFFFF0 ss:$0x1] =	vst.idx.msk $0xffff, v7;
	s20 =	smov.u32 s19  }
0x4f: {  	v5 =	vld.idx.msk [tilespmem:v1+s20+$0x10 ss:$0x1], $0xffff;
	[tilespmem:v0+s20+$0x0 ss:$0x1] =	vst.idx.msk $0xffff, v8  }
0x50: {  	s19 =	sshra.s32 s21, $0x2;
	s21 =	sadd.s32 $0x200, s21;
	[tilespmem:v0+s20+$0xFFFFFF90 ss:$0x1] =	vst.idx.msk $0xffff, v9;
	v7 =	vld.idx.msk [tilespmem:v1+s20+$0x20 ss:$0x1], $0xffff  }
.Ltmp4:
0x51: {  	_ = 	snop;
	(pc) =	sbr.rel .LBB1_4-.Ltmp4, $1  }
0x52: {  	_ =	sdelay $0x3  }
.LBB1_6:
0x53: {  	_ =	sfence.sel $0x180000  }
0x54: {  	s2 =	simm.s32 $0x1;
	[bflag:$0x0] =	sbarrier.arrive $0xFFFF  }
0x55: {  	s31 =	simm.s32 $0x2;
	[sflag:s2] =	ssyncpa.u1 $0x1  }
0x56: {  	[sflag:s31] =	ssyncpa.u1 $0x1  }
0x57: {  	p0 =	sne.s32 s1, $0x0;
	_ =	strace $0x90000047  }
0x58: {  	s0 =	sadd.s32 @!p0 $0x100000, s0;
	[bflag:$0x2] =	sbarrier.arrive $0xFFFF  }
0x59: {  	[sflag:s0] =	ssyncadd.tile.s32 @!p0 $0x1;
	_ =	shalt  }
.Lfunc_end1:
_tile_overlayer_lowered:
.L_overlay_start_2:
0x5a: {  	(tag) =	ssettag $0x2  }
0x5b: {  	s0 =	rddreg [dreg:$0x0];
	s2 =	stileid.u32  }
0x5c: {  	s1 =	rddreg [dreg:$0x1];
	p0 =	sne.s32 s2, $0x0  }
0x5d: {  	s3 =	rddreg [dreg:$0x2];
	[bflag:$0x3] =	sbarrier.arrive $0xFFFF;
	s2 =	simm.s32 @!p0 $0x1C01  }
0x5e: {  	[timem:s3], [sflag:s2] =	dma.local @!p0 [hbm:s0], s1  }
0x5f: {  	s0 =	simm.s32 @!p0 $0x1  }
0x60: {  	_ =	swait.ge @!p0 [sflag:s0], s1  }
0x61: {  	s1 =	ssub.s32 @!p0 $0x0, s1;
	[sflag:s0] =	ssyncset.done @!p0 $0x0  }
0x62: {  	[sflag:s0] =	ssyncadd.s32 @!p0 s1  }
0x63: {  	[bflag:$0x3] =	sbarrier.arrive $0xFFFF  }
0x64: {  	_ =	shalt  }

</sc_bundles>
